<compile_context>
chip_gen: v7x
topology: tpu7x:2x2x1
jax: 0.10.2.dev20260603
libtpu: 0.0.44.dev20260713+nightly
codegen_flags: <defaults>
</compile_context>

<pallas_src>
import jax
import jax.numpy as jnp
from jax import lax
from jax.experimental import pallas as pl
from jax.experimental.pallas import tpu as pltpu
from jax.experimental.pallas import tpu_sc as plsc

B = 16384
D = 256
TCB = 4096
NC = 1
NS = 16
NW = NC * NS
RW = B // NW


def _argmax_block(x_ref, idx_ref):
    xb = x_ref[...]
    m = jnp.max(xb, axis=1, keepdims=True)
    io = lax.broadcasted_iota(jnp.int32, xb.shape, 1)
    masked = jnp.where(xb == m, io, jnp.int32(D - 1))
    idx_ref[...] = jnp.min(masked, axis=1)


def _relayout_block(i_ref, q_ref, out_ref):
    n = out_ref.shape[0]
    iv = lax.broadcast_in_dim(i_ref[...], (n, 2), (0,))
    qv = lax.broadcast_in_dim(q_ref[...], (n, 2), (0,))
    col = lax.broadcasted_iota(jnp.int32, (n, 2), 1)
    out_ref[...] = jnp.where(col == 0, iv, qv)


def _lookup_body(idx_hbm, map_hbm, out_hbm, idx_v, map_v, out_v,
                 isem, osem):
    wid = lax.axis_index("s") * NC + lax.axis_index("c")
    base = wid * RW

    cp = pltpu.async_copy(idx_hbm.at[pl.ds(base, RW)], idx_v, isem)
    cpm = pltpu.async_copy(map_hbm, map_v, osem)
    cp.wait()
    cpm.wait()

    ones16 = jnp.full((16,), 1, jnp.int32)

    @plsc.parallel_loop(0, RW, step=16, unroll=4)
    def _rows(i):
        iv = idx_v[pl.ds(i, 16)] * 2
        map_i = plsc.load_gather(map_v, [iv])
        map_q = plsc.load_gather(map_v, [iv + ones16])
        out_v[pl.ds(i, 16)] = map_i
        out_v[pl.ds(RW + i, 16)] = map_q

    cpo_i = pltpu.async_copy(out_v.at[pl.ds(0, RW)],
                             out_hbm.at[pl.ds(base, RW)], osem)
    pltpu.async_copy(out_v.at[pl.ds(RW, RW)],
                     out_hbm.at[pl.ds(B + base, RW)], osem).wait()
    cpo_i.wait()


@jax.jit
def kernel(x, mapping):
    idx = pl.pallas_call(
        _argmax_block,
        grid=(B // TCB,),
        in_specs=[pl.BlockSpec((TCB, D), lambda b: (b, 0))],
        out_specs=pl.BlockSpec((TCB,), lambda b: (b,)),
        out_shape=jax.ShapeDtypeStruct((B,), jnp.int32),
    )(x)

    mesh = plsc.VectorSubcoreMesh(core_axis_name="c", subcore_axis_name="s",
                                  num_cores=NC, num_subcores=NS)
    lookup = pl.kernel(
        _lookup_body,
        mesh=mesh,
        compiler_params=pltpu.CompilerParams(
            use_tc_tiling_on_sc=False, needs_layout_passes=False),
        out_type=jax.ShapeDtypeStruct((B * 2,), jnp.float32),
        scratch_types=[
            pltpu.VMEM((RW,), jnp.int32),
            pltpu.VMEM((512,), jnp.float32),
            pltpu.VMEM((RW * 2,), jnp.float32),
            pltpu.SemaphoreType.DMA,
            pltpu.SemaphoreType.DMA,
        ],
    )
    out1d = lookup(idx, mapping.reshape(-1))
    RB = 4096
    nb = B // RB
    return pl.pallas_call(
        _relayout_block,
        grid=(nb,),
        in_specs=[pl.BlockSpec((RB,), lambda b: (b,)),
                  pl.BlockSpec((RB,), lambda b: (b + nb,))],
        out_specs=pl.BlockSpec((RB, 2), lambda b: (b, 0)),
        out_shape=jax.ShapeDtypeStruct((B, 2), jnp.float32),
    )(out1d, out1d)

# --- scband reference (transcript-rebuilt; emitter-appended) ---
"""Pipeline reference for scband-clip-qam-encoder-13322988552679 (READ-ONLY COPY).

The authoritative reference and input builder live on the scoring server;
editing this copy changes nothing except your own understanding.
"""

import jax, jax.numpy as jnp
import numpy as np

BIT_COUNT = 8
CLIP_X = 0.5


def qam_mapping(bit_count):
    # Square M-QAM constellation, Gray-ordering not required for this module.
    M = 2 ** bit_count
    L = int(round(M ** 0.5))
    levels = (2.0 * jnp.arange(L, dtype=jnp.float32) - (L - 1))  # odd-integer grid
    I = jnp.repeat(levels, L)
    Q = jnp.tile(levels, L)
    pts = jnp.stack([I, Q], axis=1)  # [M, 2]
    # normalize to unit average symbol energy
    mean_energy = jnp.mean(jnp.sum(pts ** 2, axis=1))
    pts = pts / jnp.sqrt(mean_energy)
    return pts


def clip_qam_mapping(bit_count, x):
    qam = qam_mapping(bit_count)
    max_x = jnp.max(jnp.abs(qam[:, 0]))
    cx = qam[:, 0] * (x / max_x)
    x_energy = jnp.sum(cx ** 2)
    cur_y_energy = jnp.sum(qam[:, 1] ** 2)
    result_y_energy = float(2 ** bit_count) - x_energy
    cy = qam[:, 1] * jnp.sqrt(result_y_energy / cur_y_energy)
    return jnp.stack([cx, cy], axis=1)  # [M, 2]


def setup_inputs(seed: int = 0) -> dict:
    key = jax.random.key(seed)
    x = jax.random.normal(key, (16384, 2 ** BIT_COUNT), dtype=jnp.float32)
    mapping = clip_qam_mapping(BIT_COUNT, CLIP_X)
    return {"x": x, "mapping": mapping}


def reference(x, mapping):
    # forward of ClipQamEncoder: hard-assign each row to its argmax symbol,
    # then gather the (I, Q) constellation point (torch.index_select).
    indices = jnp.argmax(x, axis=-1)            # [B]
    return jnp.take(mapping, indices, axis=0)   # [B, 2]

if __name__ == "__main__":
    import jax
    _d = setup_inputs()
    print(jax.jit(kernel)(*tuple(_d.values())))

</pallas_src>

<mosaic_0001>
#map = affine_map<(d0, d1) -> (0)>
module attributes {stable_mosaic.version = 14 : i64} {
  func.func @_lookup_body(%arg0: i32, %arg1: i32, %arg2: memref<16384xi32, #tpu.memory_space<hbm>>, %arg3: memref<512xf32, #tpu.memory_space<hbm>>, %arg4: memref<32768xf32, #tpu.memory_space<hbm>>, %arg5: memref<1024xi32, #tpu.memory_space<vmem>>, %arg6: memref<512xf32, #tpu.memory_space<vmem>>, %arg7: memref<2048xf32, #tpu.memory_space<vmem>>, %arg8: memref<!tpu.dma_semaphore, #tpu.memory_space<semaphore_mem>>, %arg9: memref<!tpu.dma_semaphore, #tpu.memory_space<semaphore_mem>>) attributes {dimension_semantics = [#tpu.dimension_semantics<core_parallel>, #tpu.dimension_semantics<subcore_parallel>], iteration_bounds = array<i64: 1, 16>, scalar_prefetch = 0 : i64, scratch_operands = 5 : i64, tpu.core_type = #tpu.core_type<sc_vector_subcore>, window_params = [{transform_indices = #map}, {transform_indices = #map}, {transform_indices = #map}]} {
    %mul3A = arith.constant 1 : i32
    %mul3A_0 = arith.muli %arg1, %mul3A : i32
    %add3A = arith.addi %mul3A_0, %arg0 : i32
    %mul3A_1 = arith.constant 1024 : i32
    %mul3A_2 = arith.muli %add3A, %mul3A_1 : i32
    %dma_start3A = tpu.memref_slice %arg2[%mul3A_2] : memref<16384xi32, #tpu.memory_space<hbm>> -> memref<1024xi32, #tpu.memory_space<hbm>>
    %dma_start3A_3 = tpu.memref_slice %arg2[%mul3A_2] : memref<16384xi32, #tpu.memory_space<hbm>> -> memref<1024xi32, #tpu.memory_space<hbm>>
    tpu.enqueue_dma source(%dma_start3A_3 : memref<1024xi32, #tpu.memory_space<hbm>>) target(%arg5 : memref<1024xi32, #tpu.memory_space<vmem>>) target_semaphore(%arg8 : memref<!tpu.dma_semaphore, #tpu.memory_space<semaphore_mem>>)
    tpu.enqueue_dma source(%arg3 : memref<512xf32, #tpu.memory_space<hbm>>) target(%arg6 : memref<512xf32, #tpu.memory_space<vmem>>) target_semaphore(%arg9 : memref<!tpu.dma_semaphore, #tpu.memory_space<semaphore_mem>>)
    %dma_wait3A = tpu.memref_slice %arg2[%mul3A_2] : memref<16384xi32, #tpu.memory_space<hbm>> -> memref<1024xi32, #tpu.memory_space<hbm>>
    %dma_wait3A_4 = tpu.memref_slice %arg2[%mul3A_2] : memref<16384xi32, #tpu.memory_space<hbm>> -> memref<1024xi32, #tpu.memory_space<hbm>>
    tpu.wait_dma2 semaphore(%arg8 : memref<!tpu.dma_semaphore, #tpu.memory_space<semaphore_mem>>) src(%dma_wait3A_4 : memref<1024xi32, #tpu.memory_space<hbm>>) dst(%arg5 : memref<1024xi32, #tpu.memory_space<vmem>>)
    tpu.wait_dma2 semaphore(%arg9 : memref<!tpu.dma_semaphore, #tpu.memory_space<semaphore_mem>>) src(%arg3 : memref<512xf32, #tpu.memory_space<hbm>>) dst(%arg6 : memref<512xf32, #tpu.memory_space<vmem>>)
    %broadcast_in_dim3A = arith.constant 1 : i32
    %broadcast_in_dim3A_5 = vector.broadcast %broadcast_in_dim3A : i32 to vector<16xi32>
    %parallel_loop3A = arith.constant 0 : i32
    %parallel_loop3A_6 = arith.constant 1024 : i32
    %parallel_loop3A_7 = arith.constant 16 : i32
    scf.for %parallel_loop3A_34 = %parallel_loop3A to %parallel_loop3A_6 step %parallel_loop3A_7  : i32 {
      %parallel_loop3A_35 = arith.index_cast %parallel_loop3A_34 : i32 to index
      %parallel_loop3A_36 = tpu.vector_load %arg5[%parallel_loop3A_35] {strides = array<i32>} : memref<1024xi32, #tpu.memory_space<vmem>>, vector<16xi32>,
      %parallel_loop3A_37 = arith.constant 2 : i32
      %parallel_loop3A_38 = vector.broadcast %parallel_loop3A_37 : i32 to vector<16xi32>
      %parallel_loop3A_39 = arith.muli %parallel_loop3A_36, %parallel_loop3A_38 : vector<16xi32>
      %parallel_loop3A_40 = tpu.vector_load_idx %arg6[%parallel_loop3A_39] : memref<512xf32, #tpu.memory_space<vmem>>[vector<16xi32>], vector<16xf32>,
      %parallel_loop3A_41 = arith.addi %parallel_loop3A_39, %broadcast_in_dim3A_5 : vector<16xi32>
      %parallel_loop3A_42 = tpu.vector_load_idx %arg6[%parallel_loop3A_41] : memref<512xf32, #tpu.memory_space<vmem>>[vector<16xi32>], vector<16xf32>,
      %parallel_loop3A_43 = arith.index_cast %parallel_loop3A_34 : i32 to index
      %parallel_loop3A_44 = tpu.vector_load %arg7[%parallel_loop3A_43] {strides = array<i32>} : memref<2048xf32, #tpu.memory_space<vmem>>, vector<16xf32>,
      tpu.vector_store %arg7[%parallel_loop3A_43], %parallel_loop3A_40 {strides = array<i32>} : memref<2048xf32, #tpu.memory_space<vmem>>, vector<16xf32>,
      %parallel_loop3A_45 = arith.constant 1024 : i32
      %parallel_loop3A_46 = arith.addi %parallel_loop3A_45, %parallel_loop3A_34 : i32
      %parallel_loop3A_47 = arith.index_cast %parallel_loop3A_46 : i32 to index
      %parallel_loop3A_48 = tpu.vector_load %arg7[%parallel_loop3A_47] {strides = array<i32>} : memref<2048xf32, #tpu.memory_space<vmem>>, vector<16xf32>,
      tpu.vector_store %arg7[%parallel_loop3A_47], %parallel_loop3A_42 {strides = array<i32>} : memref<2048xf32, #tpu.memory_space<vmem>>, vector<16xf32>,
    } {sc.loop_unroll_factor = 4 : i64, sc.parallel_access}
    %dma_start3A_8 = arith.constant 0 : i32
    %dma_start3A_9 = tpu.memref_slice %arg7[%dma_start3A_8] : memref<2048xf32, #tpu.memory_space<vmem>> -> memref<1024xf32, #tpu.memory_space<vmem>>
    %dma_start3A_10 = tpu.memref_slice %arg4[%mul3A_2] : memref<32768xf32, #tpu.memory_space<hbm>> -> memref<1024xf32, #tpu.memory_space<hbm>>
    %dma_start3A_11 = tpu.memref_slice %arg4[%mul3A_2] : memref<32768xf32, #tpu.memory_space<hbm>> -> memref<1024xf32, #tpu.memory_space<hbm>>
    %dma_start3A_12 = arith.constant 0 : i32
    %dma_start3A_13 = tpu.memref_slice %arg7[%dma_start3A_12] : memref<2048xf32, #tpu.memory_space<vmem>> -> memref<1024xf32, #tpu.memory_space<vmem>>
    tpu.enqueue_dma source(%dma_start3A_13 : memref<1024xf32, #tpu.memory_space<vmem>>) target(%dma_start3A_11 : memref<1024xf32, #tpu.memory_space<hbm>>) target_semaphore(%arg9 : memref<!tpu.dma_semaphore, #tpu.memory_space<semaphore_mem>>)
    %add3A_14 = arith.constant 16384 : i32
    %add3A_15 = arith.addi %add3A_14, %mul3A_2 : i32
    %dma_start3A_16 = arith.constant 1024 : i32
    %dma_start3A_17 = tpu.memref_slice %arg7[%dma_start3A_16] : memref<2048xf32, #tpu.memory_space<vmem>> -> memref<1024xf32, #tpu.memory_space<vmem>>
    %dma_start3A_18 = tpu.memref_slice %arg4[%add3A_15] : memref<32768xf32, #tpu.memory_space<hbm>> -> memref<1024xf32, #tpu.memory_space<hbm>>
    %dma_start3A_19 = tpu.memref_slice %arg4[%add3A_15] : memref<32768xf32, #tpu.memory_space<hbm>> -> memref<1024xf32, #tpu.memory_space<hbm>>
    %dma_start3A_20 = arith.constant 1024 : i32
    %dma_start3A_21 = tpu.memref_slice %arg7[%dma_start3A_20] : memref<2048xf32, #tpu.memory_space<vmem>> -> memref<1024xf32, #tpu.memory_space<vmem>>
    tpu.enqueue_dma source(%dma_start3A_21 : memref<1024xf32, #tpu.memory_space<vmem>>) target(%dma_start3A_19 : memref<1024xf32, #tpu.memory_space<hbm>>) target_semaphore(%arg9 : memref<!tpu.dma_semaphore, #tpu.memory_space<semaphore_mem>>)
    %dma_wait3A_22 = arith.constant 1024 : i32
    %dma_wait3A_23 = tpu.memref_slice %arg7[%dma_wait3A_22] : memref<2048xf32, #tpu.memory_space<vmem>> -> memref<1024xf32, #tpu.memory_space<vmem>>
    %dma_wait3A_24 = tpu.memref_slice %arg4[%add3A_15] : memref<32768xf32, #tpu.memory_space<hbm>> -> memref<1024xf32, #tpu.memory_space<hbm>>
    %dma_wait3A_25 = tpu.memref_slice %arg4[%add3A_15] : memref<32768xf32, #tpu.memory_space<hbm>> -> memref<1024xf32, #tpu.memory_space<hbm>>
    %dma_wait3A_26 = arith.constant 1024 : i32
    %dma_wait3A_27 = tpu.memref_slice %arg7[%dma_wait3A_26] : memref<2048xf32, #tpu.memory_space<vmem>> -> memref<1024xf32, #tpu.memory_space<vmem>>
    tpu.wait_dma2 semaphore(%arg9 : memref<!tpu.dma_semaphore, #tpu.memory_space<semaphore_mem>>) src(%dma_wait3A_27 : memref<1024xf32, #tpu.memory_space<vmem>>) dst(%dma_wait3A_25 : memref<1024xf32, #tpu.memory_space<hbm>>)
    %dma_wait3A_28 = arith.constant 0 : i32
    %dma_wait3A_29 = tpu.memref_slice %arg7[%dma_wait3A_28] : memref<2048xf32, #tpu.memory_space<vmem>> -> memref<1024xf32, #tpu.memory_space<vmem>>
    %dma_wait3A_30 = tpu.memref_slice %arg4[%mul3A_2] : memref<32768xf32, #tpu.memory_space<hbm>> -> memref<1024xf32, #tpu.memory_space<hbm>>
    %dma_wait3A_31 = tpu.memref_slice %arg4[%mul3A_2] : memref<32768xf32, #tpu.memory_space<hbm>> -> memref<1024xf32, #tpu.memory_space<hbm>>
    %dma_wait3A_32 = arith.constant 0 : i32
    %dma_wait3A_33 = tpu.memref_slice %arg7[%dma_wait3A_32] : memref<2048xf32, #tpu.memory_space<vmem>> -> memref<1024xf32, #tpu.memory_space<vmem>>
    tpu.wait_dma2 semaphore(%arg9 : memref<!tpu.dma_semaphore, #tpu.memory_space<semaphore_mem>>) src(%dma_wait3A_33 : memref<1024xf32, #tpu.memory_space<vmem>>) dst(%dma_wait3A_31 : memref<1024xf32, #tpu.memory_space<hbm>>)
    return
  }
}

module attributes {stable_mosaic.version = 14 : i64} {
  func.func @_relayout_block(%arg0: i32, %arg1: memref<4096xf32, #tpu.memory_space<vmem>>, %arg2: memref<4096xf32, #tpu.memory_space<vmem>>, %arg3: memref<4096x2xf32, #tpu.memory_space<vmem>>) attributes {dimension_semantics = [#tpu.dimension_semantics<arbitrary>], iteration_bounds = array<i64: 4>, scalar_prefetch = 0 : i64, scratch_operands = 0 : i64, tpu.core_type = #tpu.core_type<tc>, window_params = [{transform_indices = @transform_0, window_bounds = array<i64: 4096>}, {transform_indices = @transform_1, window_bounds = array<i64: 4096>}, {transform_indices = @transform_2, window_bounds = array<i64: 4096, 2>}]} {
    %get3A = arith.constant 0 : index
    %get3A_0 = vector.load %arg1[%get3A] : memref<4096xf32, #tpu.memory_space<vmem>>, vector<4096xf32>
    %broadcast_in_dim3A = vector.shape_cast %get3A_0 : vector<4096xf32> to vector<4096x1xf32>
    %broadcast_in_dim3A_1 = vector.broadcast %broadcast_in_dim3A : vector<4096x1xf32> to vector<4096x2xf32>
    %get3A_2 = arith.constant 0 : index
    %get3A_3 = vector.load %arg2[%get3A_2] : memref<4096xf32, #tpu.memory_space<vmem>>, vector<4096xf32>
    %broadcast_in_dim3A_4 = vector.shape_cast %get3A_3 : vector<4096xf32> to vector<4096x1xf32>
    %broadcast_in_dim3A_5 = vector.broadcast %broadcast_in_dim3A_4 : vector<4096x1xf32> to vector<4096x2xf32>
    %iota3A = tpu.iota {dimensions = array<i32: 1>} : vector<4096x2xi32>
    %eq3A = arith.constant 0 : i32
    %eq3A_6 = vector.broadcast %eq3A : i32 to vector<4096x2xi32>
    %eq3A_7 = arith.cmpi eq, %iota3A, %eq3A_6 : vector<4096x2xi32>
    %select_n3A = arith.select %eq3A_7, %broadcast_in_dim3A_1, %broadcast_in_dim3A_5 : vector<4096x2xi1>, vector<4096x2xf32>
    %swap3A = arith.constant 0 : index
    %swap3A_8 = arith.constant 0 : index
    %swap3A_9 = vector.load %arg3[%swap3A, %swap3A_8] : memref<4096x2xf32, #tpu.memory_space<vmem>>, vector<4096x2xf32>
    tpu.vector_store %arg3[%swap3A, %swap3A_8], %select_n3A {strides = array<i32>} : memref<4096x2xf32, #tpu.memory_space<vmem>>, vector<4096x2xf32>,
    return
  }
  func.func @transform_0(%arg0: i32) -> i32 {
    %c0_i32 = arith.constant 0 : i32
    return %arg0 : i32
  }
  func.func @transform_1(%arg0: i32) -> i32 {
    %add3A = arith.constant 4 : i32
    %add3A_0 = arith.addi %arg0, %add3A : i32
    %c0_i32 = arith.constant 0 : i32
    return %add3A_0 : i32
  }
  func.func @transform_2(%arg0: i32) -> (i32, i32) {
    %c0_i32 = arith.constant 0 : i32
    %c0_i32_0 = arith.constant 0 : i32
    return %arg0, %c0_i32 : i32, i32
  }
}

module attributes {stable_mosaic.version = 14 : i64} {
  func.func @_argmax_block(%arg0: i32, %arg1: memref<4096x256xf32, #tpu.memory_space<vmem>>, %arg2: memref<4096xi32, #tpu.memory_space<vmem>>) attributes {dimension_semantics = [#tpu.dimension_semantics<arbitrary>], iteration_bounds = array<i64: 4>, scalar_prefetch = 0 : i64, scratch_operands = 0 : i64, tpu.core_type = #tpu.core_type<tc>, window_params = [{transform_indices = @transform_0, window_bounds = array<i64: 4096, 256>}, {transform_indices = @transform_1, window_bounds = array<i64: 4096>}]} {
    %get3A = arith.constant 0 : index
    %get3A_0 = arith.constant 0 : index
    %get3A_1 = vector.load %arg1[%get3A, %get3A_0] : memref<4096x256xf32, #tpu.memory_space<vmem>>, vector<4096x256xf32>
    %reduce_max3A = arith.constant dense<0xFF800000> : vector<4096xf32>
    %reduce_max3A_2 = vector.multi_reduction <maximumf>, %get3A_1, %reduce_max3A [1] : vector<4096x256xf32> to vector<4096xf32>
    %broadcast_in_dim3A = vector.shape_cast %reduce_max3A_2 : vector<4096xf32> to vector<4096x1xf32>
    %iota3A = tpu.iota {dimensions = array<i32: 1>} : vector<4096x256xi32>
    %eq3A = vector.broadcast %broadcast_in_dim3A : vector<4096x1xf32> to vector<4096x256xf32>
    %eq3A_3 = arith.cmpf oeq, %get3A_1, %eq3A : vector<4096x256xf32>
    %jit3A = arith.constant 255 : i32
    %broadcast_in_dim3A_4 = vector.broadcast %jit3A : i32 to vector<4096x256xi32>
    %select_n3A = arith.select %eq3A_3, %iota3A, %broadcast_in_dim3A_4 : vector<4096x256xi1>, vector<4096x256xi32>
    %reduce_min3A = arith.constant dense<2147483647> : vector<4096xi32>
    %reduce_min3A_5 = vector.multi_reduction <minsi>, %select_n3A, %reduce_min3A [1] : vector<4096x256xi32> to vector<4096xi32>
    %swap3A = arith.constant 0 : index
    %swap3A_6 = vector.load %arg2[%swap3A] : memref<4096xi32, #tpu.memory_space<vmem>>, vector<4096xi32>
    tpu.vector_store %arg2[%swap3A], %reduce_min3A_5 {strides = array<i32>} : memref<4096xi32, #tpu.memory_space<vmem>>, vector<4096xi32>,
    return
  }
  func.func @transform_0(%arg0: i32) -> (i32, i32) {
    %c0_i32 = arith.constant 0 : i32
    %c0_i32_0 = arith.constant 0 : i32
    return %arg0, %c0_i32 : i32, i32
  }
  func.func @transform_1(%arg0: i32) -> i32 {
    %c0_i32 = arith.constant 0 : i32
    return %arg0 : i32
  }
}

</mosaic_0001>

<sc_bundles>
// kernel: kernel.5.cloned.1.call-start
scs
__scs_entry_jumppad:
0x0: {  	(pc) =	sbr.rel $0x88, $3  }
0x1: {  	(tag) =	ssettag $0x0;
	lr =	simm.s32 $0x1  }
0x2: {  	[smem:$0x3F9F] =	sst lr;
	_ =	strace $0xD0000000  }
0x3: {  	_ = 	snop  }
0x4: {  	_ = 	snop  }
0x5: {  	_ = 	snop  }
0x6: {  	_ = 	snop  }
0x7: {  	_ = 	snop  }
__scs_overlays_trampoline_lowered:
0x8: {  	[smem:$0x3FAE] =	sst s0  }
0x9: {  	[smem:$0x3FAF] =	sst s1  }
0xa: {  	[smem:$0x3FB0] =	sst s2  }
0xb: {  	[smem:$0x3FB1] =	sst s3  }
0xc: {  	[smem:$0x3FB2] =	sst s4  }
0xd: {  	[smem:$0x3FB3] =	sst s5  }
0xe: {  	[smem:$0x3FB4] =	sst s6  }
0xf: {  	[smem:$0x3FB5] =	sst s7  }
0x10: {  	[smem:$0x3FB6] =	sst s8  }
0x11: {  	[smem:$0x3FB7] =	sst s9;
	s0 =	simm.s32 @!p0 $0x0  }
0x12: {  	s1 =	sld [smem:$0x3F9D];
	s0 =	simm.s32 @p0 $0x1  }
0x13: {  	[smem:$0x3FB8] =	sst s0;
	s0 =	simm.s32 @!p1 $0x0  }
0x14: {  	s2 =	sld [smem:$0x3F9C];
	s0 =	simm.s32 @p1 $0x1  }
0x15: {  	[smem:$0x3FB9] =	sst s0;
	s0 =	simm.s32 @!p2 $0x0  }
0x16: {  	s3 =	sld [smem:$0x3FDB];
	s0 =	simm.s32 @p2 $0x1  }
0x17: {  	s4 =	simm.s32 $0x1BF5;
	[smem:$0x3FBB] =	sst s0  }
0x18: {  	s0 =	sld [smem:$0x3F9E];
	_ =	swait.ge [sflag:s4], $0x0  }
0x19: {  	s7 =	sld [smem:$0x3F9F]  }
0x1a: {  	s8 =	sadd.s32 $0xFFFFE003, lr  }
0x1b: {  	s9 =	sadd.s32 $0xFFFFFEF7, lr;
	s5 =	simm.s32 $0xFFFFFFFF;
	p2 =	slt.u32 s8, $0xFFFFF086  }
0x1c: {  	p1 =	slt.u32 s9, $0xF7A;
	s5 =	simm.s32 @!p2 $0x0  }
0x1d: {  	s5 =	simm.s32 @p1 $0x1;
	p0 =	seq.s32 s7, s2  }
0x1e: {  	s7 =	smul.u32 @!p0 $0xF7A, s2;
	p2 =	seq.s32 @!p0 s5, $0x0  }
0x1f: {  	s9 =	smul.u32 $0xF7A, s1;
	s8 =	simm.s32 @!p0 $0x1BF5;
	p2 =	por !p2, p0  }
0x20: {  	[sflag:s8] =	ssyncset.s32 @!p0 $0xFFFFF086;
	s6 =	sadd.s32 @!p0 s3, s7;
	s7 =	simm.s32 @!p0 $0x108  }
0x21: {  	s3 =	sadd.s32 s3, s9;
	s6 =	sadd.s32 @!p0 $0x88, s6;
	s7 =	simm.s32 @p2 $0x1082  }
0x22: {  	[simem:s7], [sflag:s8] =	dma.local @!p0 [hbm:s6], $0xF7A  }
0x23: {  	s9 =	sor.u32 $0xD0000000, s2;
	s6 =	simm.s32 $0x108;
	_ =	swait.ge @!p0 [sflag:s8], $0x0  }
0x24: {  	s3 =	sadd.s32 $0x88, s3;
	s6 =	simm.s32 @!p1 $0x1082;
	[sflag:s4] =	ssyncset.s32 $0xFFFFF086  }
0x25: {  	[simem:s6], [sflag:s4] =	dma.local [hbm:s3], $0xF7A  }
0x26: {  	[smem:$0x3F9F] =	sst s1;
	(tag) =	ssettag s2;
	_ =	strace s9  }
0x27: {  	s1 =	sld [smem:$0x3FAF]  }
0x28: {  	s2 =	sld [smem:$0x3FB0]  }
0x29: {  	s4 =	sld [smem:$0x3FB2]  }
0x2a: {  	p0 =	seq.s32 s5, $0x0;
	s5 =	sld [smem:$0x3FB3]  }
0x2b: {  	s6 =	sld [smem:$0x3FB4]  }
0x2c: {  	s7 =	sld [smem:$0x3FB5]  }
0x2d: {  	s3 =	simm.s32 $0x108;
	s8 =	sld [smem:$0x3FB6]  }
0x2e: {  	s3 =	simm.s32 @!p0 $0x1082;
	s9 =	sld [smem:$0x3FB7]  }
0x2f: {  	lr =	sadd.s32 s0, s3;
	s0 =	sld [smem:$0x3FAE]  }
0x30: {  	s3 =	sld [smem:$0x3FB1]  }
0x31: {  	[smem:$0x3FBA] =	sst s10  }
0x32: {  	s10 =	sld [smem:$0x3FB8];
	_ =	sdelay $0x3  }
0x33: {  	p0 =	seq.s32 s10, $0x1;
	s10 =	sld [smem:$0x3FBA];
	_ =	sdelay $0x3  }
0x34: {  	[smem:$0x3FBA] =	sst s10  }
0x35: {  	s10 =	sld [smem:$0x3FB9];
	_ =	sdelay $0x3  }
0x36: {  	p1 =	seq.s32 s10, $0x1;
	s10 =	sld [smem:$0x3FBA];
	_ =	sdelay $0x3  }
0x37: {  	[smem:$0x3FBA] =	sst s10  }
0x38: {  	s10 =	sld [smem:$0x3FBB]  }
0x39: {  	_ = 	snop;
	(pc) =	sbr.ind lr, $3  }
0x3a: {  	_ = 	snop  }
0x3b: {  	_ = 	snop  }
0x3c: {  	p2 =	seq.s32 s10, $0x1;
	s10 =	sld [smem:$0x3FBA]  }
0x3d: {  	_ =	shalt  }
0x3e: {  	_ =	shalt  }
0x3f: {  	_ =	shalt  }
0x40: {  	_ =	shalt  }
0x41: {  	_ =	shalt  }
0x42: {  	_ =	shalt  }
0x43: {  	_ =	shalt  }
0x44: {  	_ =	shalt  }
0x45: {  	_ =	shalt  }
0x46: {  	_ =	shalt  }
0x47: {  	_ =	shalt  }
0x48: {  	_ =	shalt  }
0x49: {  	_ =	shalt  }
0x4a: {  	_ =	shalt  }
0x4b: {  	_ =	shalt  }
0x4c: {  	_ =	shalt  }
0x4d: {  	_ =	shalt  }
0x4e: {  	_ =	shalt  }
0x4f: {  	_ =	shalt  }
0x50: {  	_ =	shalt  }
0x51: {  	_ =	shalt  }
0x52: {  	_ =	shalt  }
0x53: {  	_ =	shalt  }
0x54: {  	_ =	shalt  }
0x55: {  	_ =	shalt  }
0x56: {  	_ =	shalt  }
0x57: {  	_ =	shalt  }
0x58: {  	_ =	shalt  }
0x59: {  	_ =	shalt  }
0x5a: {  	_ =	shalt  }
0x5b: {  	_ =	shalt  }
0x5c: {  	_ =	shalt  }
0x5d: {  	_ =	shalt  }
0x5e: {  	_ =	shalt  }
0x5f: {  	_ =	shalt  }
0x60: {  	_ =	shalt  }
0x61: {  	_ =	shalt  }
0x62: {  	_ =	shalt  }
0x63: {  	_ =	shalt  }
0x64: {  	_ =	shalt  }
0x65: {  	_ =	shalt  }
0x66: {  	_ =	shalt  }
0x67: {  	_ =	shalt  }
0x68: {  	_ =	shalt  }
0x69: {  	_ =	shalt  }
0x6a: {  	_ =	shalt  }
0x6b: {  	_ =	shalt  }
0x6c: {  	_ =	shalt  }
0x6d: {  	_ =	shalt  }
0x6e: {  	_ =	shalt  }
0x6f: {  	_ =	shalt  }
0x70: {  	_ =	shalt  }
0x71: {  	_ =	shalt  }
0x72: {  	_ =	shalt  }
0x73: {  	_ =	shalt  }
0x74: {  	_ =	shalt  }
0x75: {  	_ =	shalt  }
0x76: {  	_ =	shalt  }
0x77: {  	_ =	shalt  }
0x78: {  	_ =	shalt  }
0x79: {  	_ =	shalt  }
0x7a: {  	_ =	shalt  }
0x7b: {  	_ =	shalt  }
0x7c: {  	_ =	shalt  }
0x7d: {  	_ =	shalt  }
0x7e: {  	_ =	shalt  }
0x7f: {  	_ =	shalt  }
0x80: {  	_ =	shalt  }
0x81: {  	_ =	shalt  }
0x82: {  	_ =	shalt  }
0x83: {  	_ =	shalt  }
0x84: {  	_ =	shalt  }
0x85: {  	_ =	shalt  }
0x86: {  	_ =	shalt  }
0x87: {  	_ =	shalt  }
.Lfunc_end0:
.L_simem_size_0:
called_computation_lowered:
.L_overlay_start_0:
0x88: {  	s0 =	sld [smem:$0x3FD9]  }
0x89: {  	s1 =	sld [smem:$0x3FFE];
	_ =	sdelay $0x3  }
0x8a: {  	s0 =	sadd.s32 s1, s0  }
0x8b: {  	[smem:$0x3FC6] =	sst s0  }
0x8c: {  	_ = 	snop  }
0x8d: {  	s0 =	sld [smem:$0x3FD0];
	(tm) =	ssettm $0x1  }
0x8e: {  	s16 =	sld [smem:$0x3FFB];
	_ =	sdelay $0x3  }
0x8f: {  	_ =	strace s16  }
0x90: {  	s1 =	sld [smem:$0x3FFC];
	_ =	sdelay $0x3  }
0x91: {  	_ =	strace s1  }
0x92: {  	s1 =	sld [smem:$0x3FFD];
	_ =	sdelay $0x3  }
0x93: {  	_ =	strace s1  }
0x94: {  	_ =	strace $0x8FFFFFFF  }
0x95: {  	s17 =	sld [smem:$0x3FDB];
	_ =	sdelay $0x1  }
0x96: {  	s2 =	simm.s32 $_scs_section_size  }
0x97: {  	s3 =	simm.s32 $_size__tile_overlayer_lowered;
	s4 =	simm.s32 $_tile_overlayer_lowered  }
0x98: {  	s20 =	simm.s32 $0x1BFF;
	s19 =	sshll.u32 s4, $0x1;
	s1 =	sadd.s32 s2, s17  }
0x99: {  	s5 =	simm.s32 $0x0;
	s18 =	sshll.u32 s3, $0x1;
	s3 =	sadd.s32 s19, s1  }
0x9a: {  	[timem:s5], [sflag:s20] =	dma.local [hbm:s3], s18  }
0x9b: {  	_ =	swait.ge [sflag:s20], s18  }
0x9c: {  	s2 =	ssub.s32 $0x0, s18;
	[sflag:s20] =	ssyncset.done $0x0  }
0x9d: {  	[sflag:s20] =	ssyncadd.s32 s2;
	_ =	sdelay $0x1  }
0x9e: {  	s21 =	simm.s32 $0x1B8B  }
0x9f: {  	_ =	swait.ge [sflag:s21], $0x1  }
0xa0: {  	[sflag:s21] =	ssyncset.done $0x0  }
0xa1: {  	s23 =	simm.s32 $0x1B8E;
	s22 =	sld [smem:$0x3FFE];
	[sflag:s21] =	ssyncadd.s32 $0xFFFFFFFF  }
0xa2: {  	s24 =	simm.s32 $execute0_lowered;
	[smem:$0x3FD2] =	sst s23  }
0xa3: {  	s3 =	sshll.u32 s24, $0x1;
	_ =	strace $0x80000046;
	[dreg:$0x1] =	wrdreg $0xFFFFFFFF  }
0xa4: {  	s25 =	simm.s32 $_size_execute0_lowered;
	s1 =	sadd.s32 s1, s3;
	[dreg:$0x0] =	wrdreg $0x0  }
0xa5: {  	s3 =	sshll.u32 s25, $0x1;
	[dreg:$0x2] =	wrdreg s1  }
0xa6: {  	[dreg:$0x3] =	wrdreg s3  }
0xa7: {  	[dreg:$0x4] =	wrdreg $0xC0  }
0xa8: {  	_ =	task [dreg:s5], $0x5FFFF  }
0xa9: {  	[dreg:$0x1] =	wrdreg $0xFFFFFFFF  }
0xaa: {  	[dreg:$0x0] =	wrdreg $0x60  }
0xab: {  	[dreg:$0x2] =	wrdreg s22  }
0xac: {  	[dreg:$0x3] =	wrdreg s0  }
0xad: {  	[dreg:$0x4] =	wrdreg $0x9  }
0xae: {  	_ =	task.clear_ibuf [dreg:s5], $0x5FFFF;
	_ =	strace $0x90000046  }
0xaf: {  	s26 =	simm.s32 $0x9;
	_ =	strace $0x80000048  }
0xb0: {  	_ =	swait.ge [sflag:s26], $0x1  }
0xb1: {  	[sflag:s26] =	ssyncadd.s32 $0xFFFFFFFF  }
0xb2: {  	_ =	strace $0x90000048  }
0xb3: {  	_ =	sfence  }
0xb4: {  	s28 =	sld [smem:$0x0];
	_ =	sdelay $0x1  }
0xb5: {  	s29 =	srdreg.scid  }
0xb6: {  	s30 =	sshll.u32 s29, $0xD;
	s31 =	sshrl.u32 s29, $0x2  }
0xb7: {  	s2 =	sand.u32 $0x4000, s30;
	s1 =	sand.u32 $0x1, s29;
	s0 =	sadd.s32 s31, s28  }
0xb8: {  	s1 =	sor.u32 s2, s1;
	s0 =	sshll.u32 s0, $0x11  }
0xb9: {  	s0 =	sor.u32 s0, s1  }
0xba: {  	s0 =	sadd.s32 $0x8F2B, s0  }
0xbb: {  	[sflag:s0] =	ssyncadd.remote.s32 $0x1  }
0xbc: {  	_ =	sfence.sel $0xFFFF  }
0xbd: {  	[dreg:$0x0] =	wrdreg $0xFFFFFFFF;
	(pc) =	sbr.abs _section_cstart, $3  }
0xbe: {  	[dreg:$0x1] =	wrdreg $0xFFFFFFFF  }
0xbf: {  	_ =	task.clear_ibuf [dreg:s5], $0x2FFFF;
	_ =	strace $0x9FFFFFFF  }
0xc0: {  	(tm) =	ssettm $0x7FFFFFFF  }
0xc1: {  	_ =	shalt  }
tec
execute0_lowered:
.L_overlay_start_1:
0x0: {  	(tag) =	ssettag $0x1  }
0x1: {  	s4 =	rddreg [dreg:$0x0];
	s1 =	stileid.u32  }
0x2: {  	s2 =	rddreg [dreg:$0x1];
	s5 =	simm.s32 $0x0;
	s3 =	sshll.u32 s1, $0x7  }
0x3: {  	[smem:$0x7FF] =	sst s5;
	s6 =	sadd.s32 s3, s4  }
0x4: {  	s0 =	rddreg [dreg:$0x2];
	_ =	strace $0x80000047;
	s6 =	sadd.s32 $0xC00, s6  }
0x5: {  	[tilespmem:s5], [sflag:$0x1] =	stream.linear.gather [hbm4b:s6+s5], $0x400, $0x38;
	[tilespmem:$0xE00] =	vst v63  }
0x6: {  	s28 =	simm.s32 $0x1;
	s26 =	sadd.s32 $0x1400, s4;
	s4 =	simm.s32 $0x400  }
0x7: {  	[tilespmem:s4], [sflag:$0x2] =	stream.linear.gather [hbm4b:s26+s5], $0x200, $0x38;
	[tilespmem:$0xE00] =	vst v63  }
0x8: {  	_ =	swait.ge [sflag:s28], $0x400  }
0x9: {  	[sflag:s28] =	ssyncset.done $0x0  }
0xa: {  	s29 =	simm.s32 $0x2;
	[sflag:s28] =	ssyncadd.s32 $0xFFFFFC00  }
0xb: {  	_ =	swait.ge [sflag:s29], $0x200  }
0xc: {  	[sflag:s29] =	ssyncset.done $0x0  }
0xd: {  	s30 =	simm.s32 $0x20;
	[sflag:s29] =	ssyncadd.s32 $0xFFFFFE00  }
0xe: {  	v0 =	vld [tilespmem:s30+$0x10]  }
0xf: {  	v1 =	vld [tilespmem:s30+$0xFFFFFFE0];
	_ =	sdelay $0x1  }
0x10: {  	v3 =	vld [tilespmem:s30+$0xFFFFFFF0]  }
0x11: {  	v4 =	vld [tilespmem:s30+$0x0]  }
0x12: {  	s31 =	simm.s32 $0x60;
	v0 =	vshll.u32 v0, $0x1  }
0x13: {  	v6 =	vld [tilespmem:s31+$0x10];
	v5 =	vshll.u32 v1, $0x1;
	v2 =	vor.u32 $0x1, v0  }
0x14: {  	v10 =	vld [tilespmem:s31+$0xFFFFFFF0];
	v1 =	vor.u32 $0x1, v5  }
0x15: {  	v11 =	vld [tilespmem:s31+$0x0];
	v3 =	vshll.u32 v3, $0x1  }
0x16: {  	v12 =	vld [tilespmem:s31+$0xFFFFFFE0];
	v4 =	vshll.u32 v4, $0x1;
	v7 =	vor.u32 $0x1, v3  }
0x17: {  	v8 =	vor.u32 $0x1, v4;
	v14 =	vld.idx.msk [tilespmem:v0+s4+$0x0], $0xffff  }
0x18: {  	v2 =	vld.idx.msk [tilespmem:v2+s4+$0x0], $0xffff  }
0x19: {  	v13 =	vld.idx.msk [tilespmem:v1+s4+$0x0], $0xffff;
	v1 =	vshll.u32 v6, $0x1  }
0x1a: {  	v9 =	vld.idx.msk [tilespmem:v3+s4+$0x0], $0xffff;
	v15 =	vor.u32 $0x1, v1  }
0x1b: {  	v6 =	vld.idx.msk [tilespmem:v7+s4+$0x0], $0xffff  }
0x1c: {  	s5 =	simm.s32 $0xA00;
	v7 =	vld.idx.msk [tilespmem:v8+s4+$0x0], $0xffff  }
0x1d: {  	v8 =	vld.idx.msk [tilespmem:v5+s4+$0x0], $0xffff;
	[tilespmem:s5+$0xFFFFFC30] =	vst v14  }
0x1e: {  	v0 =	vshll.u32 v11, $0x1;
	v3 =	vshll.u32 v12, $0x1;
	[tilespmem:s5+$0x30] =	vst v2;
	v2 =	vshll.u32 v10, $0x1;
	v10 =	vld.idx.msk [tilespmem:v4+s4+$0x0], $0xffff  }
0x1f: {  	s7 =	simm.s32 $0xA0;
	s6 =	simm.s32 $0x40;
	v12 =	vor.u32 $0x1, v3;
	[tilespmem:s5+$0x0] =	vst v13;
	v4 =	vor.u32 $0x1, v0;
	v5 =	vor.u32 $0x1, v2;
	v11 =	vld.idx.msk [tilespmem:v15+s4+$0x0], $0xffff  }
.LBB2_1:
0x20: {  	v13 =	vld [tilespmem:s7+$0x10];
	s6 =	sadd.s32 $0x40, s6;
	[tilespmem:s5+$0x10] =	vst v6  }
0x21: {  	v6 =	vld [tilespmem:s7+$0xFFFFFFF0];
	p0 =	slt.u32 s6, $0x3C0;
	[tilespmem:s5+$0x20] =	vst v7  }
0x22: {  	v7 =	vld [tilespmem:s7+$0x0];
	[tilespmem:s5+$0xFFFFFC00] =	vst v8  }
0x23: {  	v14 =	vld [tilespmem:s7+$0xFFFFFFE0];
	[tilespmem:s5+$0xFFFFFC10] =	vst v9  }
0x24: {  	v15 =	vld.idx.msk [tilespmem:v12+s4+$0x0], $0xffff;
	[tilespmem:s5+$0xFFFFFC20] =	vst v10;
	s5 =	sadd.s32 $0x40, s5  }
0x25: {  	v16 =	vld.idx.msk [tilespmem:v1+s4+$0x0], $0xffff;
	v1 =	vshll.u32 v13, $0x1;
	[tilespmem:s5+$0x30] =	vst v11  }
0x26: {  	v10 =	vshll.u32 v6, $0x1;
	v11 =	vor.u32 $0x1, v1;
	v6 =	vld.idx.msk [tilespmem:v5+s4+$0x0], $0xffff  }
.Ltmp0:
0x27: {  	v5 =	vor.u32 $0x1, v10;
	v13 =	vshll.u32 v7, $0x1;
	v7 =	vld.idx.msk [tilespmem:v4+s4+$0x0], $0xffff;
	(pc) =	sbr.rel @p0 .LBB2_1-.Ltmp0, $4  }
0x28: {  	v4 =	vor.u32 $0x1, v13;
	v8 =	vld.idx.msk [tilespmem:v3+s4+$0x0], $0xffff;
	v3 =	vshll.u32 v14, $0x1  }
0x29: {  	v12 =	vor.u32 $0x1, v3;
	v9 =	vld.idx.msk [tilespmem:v2+s4+$0x0], $0xffff;
	v2 =	vmov v10  }
0x2a: {  	[tilespmem:s5+$0x0] =	vst v15;
	v10 =	vld.idx.msk [tilespmem:v0+s4+$0x0], $0xffff;
	v0 =	vmov v13  }
0x2b: {  	s7 =	sadd.s32 $0x40, s7;
	v11 =	vld.idx.msk [tilespmem:v11+s4+$0x0], $0xffff;
	[tilespmem:s5+$0xFFFFFC30] =	vst v16  }
0x2c: {  	_ =	sdelay $0x2  }
0x2d: {  	[tilespmem:s5+$0x10] =	vst v6  }
0x2e: {  	[tilespmem:s5+$0x20] =	vst v7;
	v63 =	vld.idx.msk [tilespmem:v12+s4+$0x0], $0xffff  }
0x2f: {  	v1 =	vld.idx.msk [tilespmem:v1+s4+$0x0], $0xffff;
	[tilespmem:s5+$0xFFFFFC00] =	vst v8  }
0x30: {  	v5 =	vld.idx.msk [tilespmem:v5+s4+$0x0], $0xffff;
	[tilespmem:s5+$0xFFFFFC10] =	vst v9  }
0x31: {  	s26 =	sadd.s32 $0x40, s5;
	v4 =	vld.idx.msk [tilespmem:v4+s4+$0x0], $0xffff;
	[tilespmem:s5+$0xFFFFFC20] =	vst v10  }
0x32: {  	v3 =	vld.idx.msk [tilespmem:v3+s4+$0x0], $0xffff;
	[tilespmem:s26+$0x30] =	vst v11  }
0x33: {  	v2 =	vld.idx.msk [tilespmem:v2+s4+$0x0], $0xffff;
	[tilespmem:s26+$0x0] =	vst v63  }
0x34: {  	v0 =	vld.idx.msk [tilespmem:v0+s4+$0x0], $0xffff;
	[tilespmem:s26+$0xFFFFFC30] =	vst v1  }
0x35: {  	[tilespmem:s26+$0x10] =	vst v5  }
0x36: {  	[tilespmem:s26+$0x20] =	vst v4  }
0x37: {  	[tilespmem:s26+$0xFFFFFC00] =	vst v3  }
0x38: {  	[tilespmem:s26+$0xFFFFFC10] =	vst v2  }
0x39: {  	s2 =	sadd.s32 s2, s3;
	s28 =	simm.s32 $0x0;
	s29 =	simm.s32 $0x600;
	[tilespmem:s26+$0xFFFFFC20] =	vst v0  }
0x3a: {  	[hbm4b:s2+s28] =	stream.linear.scatter [tilespmem:s29], [sflag:$0x2], $0x400, $0x38;
	[tilespmem:$0xE00] =	vst v63  }
0x3b: {  	s30 =	simm.s32 $0xA00;
	s31 =	simm.s32 $0x2;
	s2 =	sadd.s32 $0x800, s2  }
0x3c: {  	[hbm4b:s2+s28] =	stream.linear.scatter [tilespmem:s30], [sflag:$0x2], $0x400, $0x38;
	[tilespmem:$0xE00] =	vst v63  }
0x3d: {  	_ =	swait.ge [sflag:s31], $0x400  }
0x3e: {  	[sflag:s31] =	ssyncset.done $0x0  }
0x3f: {  	[sflag:s31] =	ssyncadd.s32 $0xFFFFFC00  }
0x40: {  	_ =	swait.ge [sflag:s31], $0x400  }
0x41: {  	[sflag:s31] =	ssyncset.done $0x0  }
0x42: {  	[sflag:s31] =	ssyncadd.s32 $0xFFFFFC00  }
0x43: {  	_ =	sfence.sel $0x180000  }
0x44: {  	[bflag:$0x0] =	sbarrier.arrive $0xFFFF  }
0x45: {  	p0 =	sne.s32 s1, $0x0;
	_ =	strace $0x90000047  }
0x46: {  	s0 =	sadd.s32 @!p0 $0x100000, s0;
	[bflag:$0x2] =	sbarrier.arrive $0xFFFF  }
0x47: {  	[sflag:s0] =	ssyncadd.tile.s32 @!p0 $0x1;
	_ =	shalt  }
.Lfunc_end2:
_tile_overlayer_lowered:
.L_overlay_start_2:
0x48: {  	(tag) =	ssettag $0x2  }
0x49: {  	s0 =	rddreg [dreg:$0x0];
	s2 =	stileid.u32  }
0x4a: {  	s1 =	rddreg [dreg:$0x1];
	p0 =	sne.s32 s2, $0x0  }
0x4b: {  	s3 =	rddreg [dreg:$0x2];
	[bflag:$0x3] =	sbarrier.arrive $0xFFFF;
	s2 =	simm.s32 @!p0 $0x1C03  }
0x4c: {  	[timem:s3], [sflag:s2] =	dma.local @!p0 [hbm:s0], s1  }
0x4d: {  	s0 =	simm.s32 @!p0 $0x3  }
0x4e: {  	_ =	swait.ge @!p0 [sflag:s0], s1  }
0x4f: {  	s1 =	ssub.s32 @!p0 $0x0, s1;
	[sflag:s0] =	ssyncset.done @!p0 $0x0  }
0x50: {  	[sflag:s0] =	ssyncadd.s32 @!p0 s1  }
0x51: {  	[bflag:$0x3] =	sbarrier.arrive $0xFFFF  }
0x52: {  	_ =	shalt  }

</sc_bundles>
